<compile_context>
chip_gen: v7x
topology: tpu7x:2x2x1
jax: 0.10.2.dev20260603
libtpu: 0.0.44.dev20260713+nightly
codegen_flags: <defaults>
</compile_context>

<pallas_src>
import jax
import jax.numpy as jnp
from jax import lax
from jax.experimental import pallas as pl
from jax.experimental.pallas import tpu as pltpu
from jax.experimental.pallas import tpu_sc as plsc

_LANES = 16
_EMB_DIM = 64
_BLK = 128


def _dot_body(uid_hbm, iid_hbm, user_t, item_t, out_hbm,
              idx_v, ublk_v, iblk_v, out_v, sem_u, sem_i):
    cid = lax.axis_index("c")
    sid = lax.axis_index("s")

    @pl.when(jnp.logical_and(cid == 0, sid == 0))
    def _():
        cp_uid = pltpu.async_copy(uid_hbm, idx_v.at[pl.ds(0, 1)], sem_u)
        cp_iid = pltpu.async_copy(iid_hbm, idx_v.at[pl.ds(8, 1)], sem_i)
        cp_uid.wait()
        cp_iid.wait()
        iv = idx_v[...]
        u = iv[0]
        it = iv[8]
        cu = pl.multiple_of((u // _BLK) * _BLK, _BLK)
        ci = pl.multiple_of((it // _BLK) * _BLK, _BLK)
        cp_u = pltpu.async_copy(user_t.at[:, pl.ds(cu, _BLK)], ublk_v, sem_u)
        cp_i = pltpu.async_copy(item_t.at[:, pl.ds(ci, _BLK)], iblk_v, sem_i)
        lane_u = u - cu
        lane_i = it - ci
        base_u = pl.multiple_of((lane_u // _LANES) * _LANES, _LANES)
        base_i = pl.multiple_of((lane_i // _LANES) * _LANES, _LANES)
        sub_u = jnp.full((_LANES,), lane_u % _LANES, dtype=jnp.int32)
        sub_i = jnp.full((_LANES,), lane_i % _LANES, dtype=jnp.int32)
        cp_u.wait()
        cp_i.wait()
        def step(d, acc):
            bu = ublk_v[d, pl.ds(base_u, _LANES)].at[sub_u].get(
                mode="promise_in_bounds")
            bi = iblk_v[d, pl.ds(base_i, _LANES)].at[sub_i].get(
                mode="promise_in_bounds")
            return acc + bu * bi

        acc = lax.fori_loop(0, _EMB_DIM, step,
                            jnp.zeros((_LANES,), jnp.float32))
        out_v[...] = acc
        pltpu.sync_copy(out_v, out_hbm)


@jax.jit
def _mf_dot(uid, iid, user_t, item_t):
    call = pl.kernel(
        _dot_body,
        out_type=jax.ShapeDtypeStruct((_LANES,), jnp.float32),
        mesh=plsc.VectorSubcoreMesh(core_axis_name="c", subcore_axis_name="s",
                                    num_cores=1, num_subcores=1),
        scratch_types=[
            pltpu.VMEM((_LANES,), jnp.int32),
            pltpu.VMEM((_EMB_DIM, _BLK), jnp.float32),
            pltpu.VMEM((_EMB_DIM, _BLK), jnp.float32),
            pltpu.VMEM((_LANES,), jnp.float32),
            pltpu.SemaphoreType.DMA,
            pltpu.SemaphoreType.DMA,
        ],
    )
    return call(uid, iid, user_t, item_t)


def kernel(user_id, item_id, user_table, item_table):
    uid = jnp.reshape(user_id.astype(jnp.int32), (1,))
    iid = jnp.reshape(item_id.astype(jnp.int32), (1,))
    out = _mf_dot(uid, iid, user_table.T, item_table.T)
    return out[0]

# --- scband reference (transcript-rebuilt; emitter-appended) ---
"""Pipeline reference for scband-matrix-factorization-14121852469562 (READ-ONLY COPY).

The authoritative reference and input builder live on the scoring server;
editing this copy changes nothing except your own understanding.
"""

import jax, jax.numpy as jnp
import numpy as np

USER_CNT = 1000000
ITEM_CNT = 100000
EMB_DIM = 64

def setup_inputs(seed: int = 0) -> dict:
    key = jax.random.key(seed)
    k1, k2, k3, k4 = jax.random.split(key, 4)
    user_table = jax.random.normal(k1, (USER_CNT, EMB_DIM), dtype=jnp.float32) * 0.05
    item_table = jax.random.normal(k2, (ITEM_CNT, EMB_DIM), dtype=jnp.float32) * 0.05
    user_id = jax.random.randint(k3, (), 0, USER_CNT, dtype=jnp.int64 if jax.config.jax_enable_x64 else jnp.int32)
    item_id = jax.random.randint(k4, (), 0, ITEM_CNT, dtype=jnp.int64 if jax.config.jax_enable_x64 else jnp.int32)
    return {"user_id": user_id, "item_id": item_id, "user_table": user_table, "item_table": item_table}

def reference(user_id, item_id, user_table, item_table):
    # embedding lookup: table[idx] -> 1D vector of size EMB_DIM (scalar index)
    user_embedding = jnp.take(user_table, user_id, axis=0)
    item_embedding = jnp.take(item_table, item_id, axis=0)
    # torch.dot -> jnp.dot on 1D vectors, returns scalar
    output = jnp.dot(user_embedding, item_embedding)
    return output

if __name__ == "__main__":
    import jax
    _d = setup_inputs()
    print(jax.jit(kernel)(*tuple(_d.values())))

</pallas_src>

<mosaic_0001>
#map = affine_map<(d0, d1) -> (0)>
#map1 = affine_map<(d0, d1) -> (0, 0)>
module attributes {stable_mosaic.version = 14 : i64} {
  func.func @_dot_body(%arg0: i32, %arg1: i32, %arg2: memref<1xi32, #tpu.memory_space<hbm>>, %arg3: memref<1xi32, #tpu.memory_space<hbm>>, %arg4: memref<64x1000000xf32, #tpu.memory_space<hbm>>, %arg5: memref<64x100000xf32, #tpu.memory_space<hbm>>, %arg6: memref<16xf32, #tpu.memory_space<hbm>>, %arg7: memref<16xi32, #tpu.memory_space<vmem>>, %arg8: memref<64x128xf32, #tpu.memory_space<vmem>>, %arg9: memref<64x128xf32, #tpu.memory_space<vmem>>, %arg10: memref<16xf32, #tpu.memory_space<vmem>>, %arg11: memref<!tpu.dma_semaphore, #tpu.memory_space<semaphore_mem>>, %arg12: memref<!tpu.dma_semaphore, #tpu.memory_space<semaphore_mem>>) attributes {dimension_semantics = [#tpu.dimension_semantics<core_parallel>, #tpu.dimension_semantics<subcore_parallel>], iteration_bounds = array<i64: 1, 1>, scalar_prefetch = 0 : i64, scratch_operands = 6 : i64, tpu.core_type = #tpu.core_type<sc_vector_subcore>, window_params = [{transform_indices = #map}, {transform_indices = #map}, {transform_indices = #map1}, {transform_indices = #map1}, {transform_indices = #map}]} {
    %eq3A = arith.constant 0 : i32
    %eq3A_0 = arith.cmpi eq, %arg0, %eq3A : i32
    %eq3A_1 = arith.constant 0 : i32
    %eq3A_2 = arith.cmpi eq, %arg1, %eq3A_1 : i32
    %and3A = arith.andi %eq3A_0, %eq3A_2 : i1
    %convert_element_type3A = arith.extui %and3A : i1 to i32
    %cond3A = arith.constant 0 : i32
    %cond3A_3 = arith.cmpi ne, %convert_element_type3A, %cond3A : i32
    scf.if %cond3A_3 {
      %dma_start3A = arith.constant 0 : i32
      %dma_start3A_4 = tpu.memref_slice %arg7[%dma_start3A] : memref<16xi32, #tpu.memory_space<vmem>> -> memref<1xi32, #tpu.memory_space<vmem>>
      %dma_start3A_5 = arith.constant 0 : i32
      %dma_start3A_6 = tpu.memref_slice %arg7[%dma_start3A_5] : memref<16xi32, #tpu.memory_space<vmem>> -> memref<1xi32, #tpu.memory_space<vmem>>
      tpu.enqueue_dma source(%arg2 : memref<1xi32, #tpu.memory_space<hbm>>) target(%dma_start3A_6 : memref<1xi32, #tpu.memory_space<vmem>>) target_semaphore(%arg11 : memref<!tpu.dma_semaphore, #tpu.memory_space<semaphore_mem>>)
      %dma_start3A_7 = arith.constant 8 : i32
      %dma_start3A_8 = tpu.memref_slice %arg7[%dma_start3A_7] : memref<16xi32, #tpu.memory_space<vmem>> -> memref<1xi32, #tpu.memory_space<vmem>>
      %dma_start3A_9 = arith.constant 8 : i32
      %dma_start3A_10 = tpu.memref_slice %arg7[%dma_start3A_9] : memref<16xi32, #tpu.memory_space<vmem>> -> memref<1xi32, #tpu.memory_space<vmem>>
      tpu.enqueue_dma source(%arg3 : memref<1xi32, #tpu.memory_space<hbm>>) target(%dma_start3A_10 : memref<1xi32, #tpu.memory_space<vmem>>) target_semaphore(%arg12 : memref<!tpu.dma_semaphore, #tpu.memory_space<semaphore_mem>>)
      %dma_wait3A = arith.constant 0 : i32
      %dma_wait3A_11 = tpu.memref_slice %arg7[%dma_wait3A] : memref<16xi32, #tpu.memory_space<vmem>> -> memref<1xi32, #tpu.memory_space<vmem>>
      %dma_wait3A_12 = arith.constant 0 : i32
      %dma_wait3A_13 = tpu.memref_slice %arg7[%dma_wait3A_12] : memref<16xi32, #tpu.memory_space<vmem>> -> memref<1xi32, #tpu.memory_space<vmem>>
      tpu.wait_dma2 semaphore(%arg11 : memref<!tpu.dma_semaphore, #tpu.memory_space<semaphore_mem>>) src(%arg2 : memref<1xi32, #tpu.memory_space<hbm>>) dst(%dma_wait3A_13 : memref<1xi32, #tpu.memory_space<vmem>>)
      %dma_wait3A_14 = arith.constant 8 : i32
      %dma_wait3A_15 = tpu.memref_slice %arg7[%dma_wait3A_14] : memref<16xi32, #tpu.memory_space<vmem>> -> memref<1xi32, #tpu.memory_space<vmem>>
      %dma_wait3A_16 = arith.constant 8 : i32
      %dma_wait3A_17 = tpu.memref_slice %arg7[%dma_wait3A_16] : memref<16xi32, #tpu.memory_space<vmem>> -> memref<1xi32, #tpu.memory_space<vmem>>
      tpu.wait_dma2 semaphore(%arg12 : memref<!tpu.dma_semaphore, #tpu.memory_space<semaphore_mem>>) src(%arg3 : memref<1xi32, #tpu.memory_space<hbm>>) dst(%dma_wait3A_17 : memref<1xi32, #tpu.memory_space<vmem>>)
      %get3A = arith.constant 0 : index
      %get3A_18 = tpu.vector_load %arg7[%get3A] {strides = array<i32>} : memref<16xi32, #tpu.memory_space<vmem>>, vector<16xi32>,
      %get3A_19 = vector.shape_cast %get3A_18 : vector<16xi32> to vector<16xi32>
      %slice3A = vector.extract_strided_slice %get3A_19 {offsets = [0], sizes = [1], strides = [1]} : vector<16xi32> to vector<1xi32>
      %squeeze3A = vector.extract %slice3A[0] : i32 from vector<1xi32>
      %slice3A_20 = vector.extract_strided_slice %get3A_19 {offsets = [8], sizes = [1], strides = [1]} : vector<16xi32> to vector<1xi32>
      %squeeze3A_21 = vector.extract %slice3A_20[0] : i32 from vector<1xi32>
      %jit3A = arith.constant 128 : i32
      %div3A = arith.divsi %squeeze3A, %jit3A : i32
      %sign3A = arith.constant 0 : i32
      %sign3A_22 = arith.cmpi sgt, %squeeze3A, %sign3A : i32
      %sign3A_23 = arith.extui %sign3A_22 : i1 to i32
      %sign3A_24 = arith.constant 0 : i32
      %sign3A_25 = arith.cmpi slt, %squeeze3A, %sign3A_24 : i32
      %sign3A_26 = arith.extui %sign3A_25 : i1 to i32
      %sign3A_27 = arith.subi %sign3A_23, %sign3A_26 : i32
      %sign3A_28 = arith.constant 0 : i32
      %sign3A_29 = arith.cmpi sgt, %jit3A, %sign3A_28 : i32
      %sign3A_30 = arith.extui %sign3A_29 : i1 to i32
      %sign3A_31 = arith.constant 0 : i32
      %sign3A_32 = arith.cmpi slt, %jit3A, %sign3A_31 : i32
      %sign3A_33 = arith.extui %sign3A_32 : i1 to i32
      %sign3A_34 = arith.subi %sign3A_30, %sign3A_33 : i32
      %ne3A = arith.cmpi ne, %sign3A_27, %sign3A_34 : i32
      %rem3A = arith.remsi %squeeze3A, %jit3A : i32
      %ne3A_35 = arith.constant 0 : i32
      %ne3A_36 = arith.cmpi ne, %rem3A, %ne3A_35 : i32
      %and3A_37 = arith.andi %ne3A, %ne3A_36 : i1
      %sub3A = arith.constant 1 : i32
      %sub3A_38 = arith.subi %div3A, %sub3A : i32
      %select_n3A = arith.select %and3A_37, %sub3A_38, %div3A : i32
      %mul3A = arith.constant 128 : i32
      %mul3A_39 = arith.muli %select_n3A, %mul3A : i32
      %multiple_of3A = tpu.assume_multiple %mul3A_39, 128 : i32
      %jit3A_40 = arith.constant 128 : i32
      %div3A_41 = arith.divsi %squeeze3A_21, %jit3A_40 : i32
      %sign3A_42 = arith.constant 0 : i32
      %sign3A_43 = arith.cmpi sgt, %squeeze3A_21, %sign3A_42 : i32
      %sign3A_44 = arith.extui %sign3A_43 : i1 to i32
      %sign3A_45 = arith.constant 0 : i32
      %sign3A_46 = arith.cmpi slt, %squeeze3A_21, %sign3A_45 : i32
      %sign3A_47 = arith.extui %sign3A_46 : i1 to i32
      %sign3A_48 = arith.subi %sign3A_44, %sign3A_47 : i32
      %sign3A_49 = arith.constant 0 : i32
      %sign3A_50 = arith.cmpi sgt, %jit3A_40, %sign3A_49 : i32
      %sign3A_51 = arith.extui %sign3A_50 : i1 to i32
      %sign3A_52 = arith.constant 0 : i32
      %sign3A_53 = arith.cmpi slt, %jit3A_40, %sign3A_52 : i32
      %sign3A_54 = arith.extui %sign3A_53 : i1 to i32
      %sign3A_55 = arith.subi %sign3A_51, %sign3A_54 : i32
      %ne3A_56 = arith.cmpi ne, %sign3A_48, %sign3A_55 : i32
      %rem3A_57 = arith.remsi %squeeze3A_21, %jit3A_40 : i32
      %ne3A_58 = arith.constant 0 : i32
      %ne3A_59 = arith.cmpi ne, %rem3A_57, %ne3A_58 : i32
      %and3A_60 = arith.andi %ne3A_56, %ne3A_59 : i1
      %sub3A_61 = arith.constant 1 : i32
      %sub3A_62 = arith.subi %div3A_41, %sub3A_61 : i32
      %select_n3A_63 = arith.select %and3A_60, %sub3A_62, %div3A_41 : i32
      %mul3A_64 = arith.constant 128 : i32
      %mul3A_65 = arith.muli %select_n3A_63, %mul3A_64 : i32
      %multiple_of3A_66 = tpu.assume_multiple %mul3A_65, 128 : i32
      %dma_start3A_67 = arith.constant 0 : i32
      %dma_start3A_68 = tpu.memref_slice %arg4[%dma_start3A_67, %multiple_of3A] : memref<64x1000000xf32, #tpu.memory_space<hbm>> -> memref<64x128xf32, #tpu.memory_space<hbm>>
      %dma_start3A_69 = arith.constant 0 : i32
      %dma_start3A_70 = tpu.memref_slice %arg4[%dma_start3A_69, %multiple_of3A] : memref<64x1000000xf32, #tpu.memory_space<hbm>> -> memref<64x128xf32, #tpu.memory_space<hbm>>
      tpu.enqueue_dma source(%dma_start3A_70 : memref<64x128xf32, #tpu.memory_space<hbm>>) target(%arg8 : memref<64x128xf32, #tpu.memory_space<vmem>>) target_semaphore(%arg11 : memref<!tpu.dma_semaphore, #tpu.memory_space<semaphore_mem>>)
      %dma_start3A_71 = arith.constant 0 : i32
      %dma_start3A_72 = tpu.memref_slice %arg5[%dma_start3A_71, %multiple_of3A_66] : memref<64x100000xf32, #tpu.memory_space<hbm>> -> memref<64x128xf32, #tpu.memory_space<hbm>>
      %dma_start3A_73 = arith.constant 0 : i32
      %dma_start3A_74 = tpu.memref_slice %arg5[%dma_start3A_73, %multiple_of3A_66] : memref<64x100000xf32, #tpu.memory_space<hbm>> -> memref<64x128xf32, #tpu.memory_space<hbm>>
      tpu.enqueue_dma source(%dma_start3A_74 : memref<64x128xf32, #tpu.memory_space<hbm>>) target(%arg9 : memref<64x128xf32, #tpu.memory_space<vmem>>) target_semaphore(%arg12 : memref<!tpu.dma_semaphore, #tpu.memory_space<semaphore_mem>>)
      %sub3A_75 = arith.subi %squeeze3A, %multiple_of3A : i32
      %sub3A_76 = arith.subi %squeeze3A_21, %multiple_of3A_66 : i32
      %jit3A_77 = arith.constant 16 : i32
      %div3A_78 = arith.divsi %sub3A_75, %jit3A_77 : i32
      %sign3A_79 = arith.constant 0 : i32
      %sign3A_80 = arith.cmpi sgt, %sub3A_75, %sign3A_79 : i32
      %sign3A_81 = arith.extui %sign3A_80 : i1 to i32
      %sign3A_82 = arith.constant 0 : i32
      %sign3A_83 = arith.cmpi slt, %sub3A_75, %sign3A_82 : i32
      %sign3A_84 = arith.extui %sign3A_83 : i1 to i32
      %sign3A_85 = arith.subi %sign3A_81, %sign3A_84 : i32
      %sign3A_86 = arith.constant 0 : i32
      %sign3A_87 = arith.cmpi sgt, %jit3A_77, %sign3A_86 : i32
      %sign3A_88 = arith.extui %sign3A_87 : i1 to i32
      %sign3A_89 = arith.constant 0 : i32
      %sign3A_90 = arith.cmpi slt, %jit3A_77, %sign3A_89 : i32
      %sign3A_91 = arith.extui %sign3A_90 : i1 to i32
      %sign3A_92 = arith.subi %sign3A_88, %sign3A_91 : i32
      %ne3A_93 = arith.cmpi ne, %sign3A_85, %sign3A_92 : i32
      %rem3A_94 = arith.remsi %sub3A_75, %jit3A_77 : i32
      %ne3A_95 = arith.constant 0 : i32
      %ne3A_96 = arith.cmpi ne, %rem3A_94, %ne3A_95 : i32
      %and3A_97 = arith.andi %ne3A_93, %ne3A_96 : i1
      %sub3A_98 = arith.constant 1 : i32
      %sub3A_99 = arith.subi %div3A_78, %sub3A_98 : i32
      %select_n3A_100 = arith.select %and3A_97, %sub3A_99, %div3A_78 : i32
      %mul3A_101 = arith.constant 16 : i32
      %mul3A_102 = arith.muli %select_n3A_100, %mul3A_101 : i32
      %multiple_of3A_103 = tpu.assume_multiple %mul3A_102, 16 : i32
      %jit3A_104 = arith.constant 16 : i32
      %div3A_105 = arith.divsi %sub3A_76, %jit3A_104 : i32
      %sign3A_106 = arith.constant 0 : i32
      %sign3A_107 = arith.cmpi sgt, %sub3A_76, %sign3A_106 : i32
      %sign3A_108 = arith.extui %sign3A_107 : i1 to i32
      %sign3A_109 = arith.constant 0 : i32
      %sign3A_110 = arith.cmpi slt, %sub3A_76, %sign3A_109 : i32
      %sign3A_111 = arith.extui %sign3A_110 : i1 to i32
      %sign3A_112 = arith.subi %sign3A_108, %sign3A_111 : i32
      %sign3A_113 = arith.constant 0 : i32
      %sign3A_114 = arith.cmpi sgt, %jit3A_104, %sign3A_113 : i32
      %sign3A_115 = arith.extui %sign3A_114 : i1 to i32
      %sign3A_116 = arith.constant 0 : i32
      %sign3A_117 = arith.cmpi slt, %jit3A_104, %sign3A_116 : i32
      %sign3A_118 = arith.extui %sign3A_117 : i1 to i32
      %sign3A_119 = arith.subi %sign3A_115, %sign3A_118 : i32
      %ne3A_120 = arith.cmpi ne, %sign3A_112, %sign3A_119 : i32
      %rem3A_121 = arith.remsi %sub3A_76, %jit3A_104 : i32
      %ne3A_122 = arith.constant 0 : i32
      %ne3A_123 = arith.cmpi ne, %rem3A_121, %ne3A_122 : i32
      %and3A_124 = arith.andi %ne3A_120, %ne3A_123 : i1
      %sub3A_125 = arith.constant 1 : i32
      %sub3A_126 = arith.subi %div3A_105, %sub3A_125 : i32
      %select_n3A_127 = arith.select %and3A_124, %sub3A_126, %div3A_105 : i32
      %mul3A_128 = arith.constant 16 : i32
      %mul3A_129 = arith.muli %select_n3A_127, %mul3A_128 : i32
      %multiple_of3A_130 = tpu.assume_multiple %mul3A_129, 16 : i32
      %jit3A_131 = arith.constant 16 : i32
      %eq3A_132 = arith.constant 0 : i32
      %eq3A_133 = arith.cmpi eq, %jit3A_131, %eq3A_132 : i32
      %jit3A_134 = arith.constant 1 : i32
      %select_n3A_135 = arith.select %eq3A_133, %jit3A_134, %jit3A_131 : i32
      %rem3A_136 = arith.remsi %sub3A_75, %select_n3A_135 : i32
      %ne3A_137 = arith.constant 0 : i32
      %ne3A_138 = arith.cmpi ne, %rem3A_136, %ne3A_137 : i32
      %lt3A = arith.constant 0 : i32
      %lt3A_139 = arith.cmpi slt, %rem3A_136, %lt3A : i32
      %lt3A_140 = arith.constant 0 : i32
      %lt3A_141 = arith.cmpi slt, %select_n3A_135, %lt3A_140 : i32
      %ne3A_142 = arith.xori %lt3A_139, %lt3A_141 : i1
      %and3A_143 = arith.andi %ne3A_142, %ne3A_138 : i1
      %add3A = arith.addi %rem3A_136, %select_n3A_135 : i32
      %select_n3A_144 = arith.select %and3A_143, %add3A, %rem3A_136 : i32
      %broadcast_in_dim3A = vector.broadcast %select_n3A_144 : i32 to vector<16xi32>
      %jit3A_145 = arith.constant 16 : i32
      %eq3A_146 = arith.constant 0 : i32
      %eq3A_147 = arith.cmpi eq, %jit3A_145, %eq3A_146 : i32
      %jit3A_148 = arith.constant 1 : i32
      %select_n3A_149 = arith.select %eq3A_147, %jit3A_148, %jit3A_145 : i32
      %rem3A_150 = arith.remsi %sub3A_76, %select_n3A_149 : i32
      %ne3A_151 = arith.constant 0 : i32
      %ne3A_152 = arith.cmpi ne, %rem3A_150, %ne3A_151 : i32
      %lt3A_153 = arith.constant 0 : i32
      %lt3A_154 = arith.cmpi slt, %rem3A_150, %lt3A_153 : i32
      %lt3A_155 = arith.constant 0 : i32
      %lt3A_156 = arith.cmpi slt, %select_n3A_149, %lt3A_155 : i32
      %ne3A_157 = arith.xori %lt3A_154, %lt3A_156 : i1
      %and3A_158 = arith.andi %ne3A_157, %ne3A_152 : i1
      %add3A_159 = arith.addi %rem3A_150, %select_n3A_149 : i32
      %select_n3A_160 = arith.select %and3A_158, %add3A_159, %rem3A_150 : i32
      %broadcast_in_dim3A_161 = vector.broadcast %select_n3A_160 : i32 to vector<16xi32>
      %dma_wait3A_162 = arith.constant 0 : i32
      %dma_wait3A_163 = tpu.memref_slice %arg4[%dma_wait3A_162, %multiple_of3A] : memref<64x1000000xf32, #tpu.memory_space<hbm>> -> memref<64x128xf32, #tpu.memory_space<hbm>>
      %dma_wait3A_164 = arith.constant 0 : i32
      %dma_wait3A_165 = tpu.memref_slice %arg4[%dma_wait3A_164, %multiple_of3A] : memref<64x1000000xf32, #tpu.memory_space<hbm>> -> memref<64x128xf32, #tpu.memory_space<hbm>>
      tpu.wait_dma2 semaphore(%arg11 : memref<!tpu.dma_semaphore, #tpu.memory_space<semaphore_mem>>) src(%dma_wait3A_165 : memref<64x128xf32, #tpu.memory_space<hbm>>) dst(%arg8 : memref<64x128xf32, #tpu.memory_space<vmem>>)
      %dma_wait3A_166 = arith.constant 0 : i32
      %dma_wait3A_167 = tpu.memref_slice %arg5[%dma_wait3A_166, %multiple_of3A_66] : memref<64x100000xf32, #tpu.memory_space<hbm>> -> memref<64x128xf32, #tpu.memory_space<hbm>>
      %dma_wait3A_168 = arith.constant 0 : i32
      %dma_wait3A_169 = tpu.memref_slice %arg5[%dma_wait3A_168, %multiple_of3A_66] : memref<64x100000xf32, #tpu.memory_space<hbm>> -> memref<64x128xf32, #tpu.memory_space<hbm>>
      tpu.wait_dma2 semaphore(%arg12 : memref<!tpu.dma_semaphore, #tpu.memory_space<semaphore_mem>>) src(%dma_wait3A_169 : memref<64x128xf32, #tpu.memory_space<hbm>>) dst(%arg9 : memref<64x128xf32, #tpu.memory_space<vmem>>)
      %broadcast_in_dim3A_170 = arith.constant 0.000000e+00 : f32
      %broadcast_in_dim3A_171 = vector.broadcast %broadcast_in_dim3A_170 : f32 to vector<16xf32>
      %scan3A = arith.constant 0 : i32
      %scan3A_172 = arith.constant 64 : i32
      %scan3A_173 = arith.addi %scan3A, %scan3A_172 : i32
      %scan3A_174 = arith.constant 1 : i32
      %scan3A_175 = scf.for %scan3A_180 = %scan3A to %scan3A_173 step %scan3A_174 iter_args(%scan3A_181 = %broadcast_in_dim3A_171) -> (vector<16xf32>)  : i32 {
        %get3A_182 = arith.index_cast %scan3A_180 : i32 to index
        %get3A_183 = arith.index_cast %multiple_of3A_103 : i32 to index
        %get3A_184 = tpu.vector_load %arg8[%get3A_182, %get3A_183] {strides = array<i32>} : memref<64x128xf32, #tpu.memory_space<vmem>>, vector<1x16xf32>,
        %get3A_185 = vector.shape_cast %get3A_184 : vector<1x16xf32> to vector<16xf32>
        %lt3A_186 = arith.constant 0 : i32
        %lt3A_187 = vector.broadcast %lt3A_186 : i32 to vector<16xi32>
        %lt3A_188 = arith.cmpi slt, %broadcast_in_dim3A, %lt3A_187 : vector<16xi32>
        %add3A_189 = arith.constant 16 : i32
        %add3A_190 = vector.broadcast %add3A_189 : i32 to vector<16xi32>
        %add3A_191 = arith.addi %broadcast_in_dim3A, %add3A_190 : vector<16xi32>
        %select_n3A_192 = arith.select %lt3A_188, %add3A_191, %broadcast_in_dim3A : vector<16xi1>, vector<16xi32>
        %broadcast_in_dim3A_193 = vector.shape_cast %select_n3A_192 : vector<16xi32> to vector<16x1xi32>
        %gather3A = vector.shape_cast %broadcast_in_dim3A_193 : vector<16x1xi32> to vector<16xi32>
        %gather3A_194 = tpu.dynamic_gather %get3A_185[%gather3A] in [0] : vector<16xf32>, vector<16xi32> -> vector<16xf32>
        %get3A_195 = arith.index_cast %scan3A_180 : i32 to index
        %get3A_196 = arith.index_cast %multiple_of3A_130 : i32 to index
        %get3A_197 = tpu.vector_load %arg9[%get3A_195, %get3A_196] {strides = array<i32>} : memref<64x128xf32, #tpu.memory_space<vmem>>, vector<1x16xf32>,
        %get3A_198 = vector.shape_cast %get3A_197 : vector<1x16xf32> to vector<16xf32>
        %lt3A_199 = arith.constant 0 : i32
        %lt3A_200 = vector.broadcast %lt3A_199 : i32 to vector<16xi32>
        %lt3A_201 = arith.cmpi slt, %broadcast_in_dim3A_161, %lt3A_200 : vector<16xi32>
        %add3A_202 = arith.constant 16 : i32
        %add3A_203 = vector.broadcast %add3A_202 : i32 to vector<16xi32>
        %add3A_204 = arith.addi %broadcast_in_dim3A_161, %add3A_203 : vector<16xi32>
        %select_n3A_205 = arith.select %lt3A_201, %add3A_204, %broadcast_in_dim3A_161 : vector<16xi1>, vector<16xi32>
        %broadcast_in_dim3A_206 = vector.shape_cast %select_n3A_205 : vector<16xi32> to vector<16x1xi32>
        %gather3A_207 = vector.shape_cast %broadcast_in_dim3A_206 : vector<16x1xi32> to vector<16xi32>
        %gather3A_208 = tpu.dynamic_gather %get3A_198[%gather3A_207] in [0] : vector<16xf32>, vector<16xi32> -> vector<16xf32>
        %mul3A_209 = arith.mulf %gather3A_194, %gather3A_208 : vector<16xf32>
        %add3A_210 = arith.addf %scan3A_181, %mul3A_209 : vector<16xf32>
        scf.yield %add3A_210 : vector<16xf32>
      }
      %scan3A_176 = arith.constant 64 : i32
      %swap3A = arith.constant 0 : index
      %swap3A_177 = tpu.vector_load %arg10[%swap3A] {strides = array<i32>} : memref<16xf32, #tpu.memory_space<vmem>>, vector<16xf32>,
      %swap3A_178 = vector.shape_cast %swap3A_177 : vector<16xf32> to vector<16xf32>
      %swap3A_179 = vector.shape_cast %scan3A_175 : vector<16xf32> to vector<16xf32>
      tpu.vector_store %arg10[%swap3A], %swap3A_179 {strides = array<i32>} : memref<16xf32, #tpu.memory_space<vmem>>, vector<16xf32>,
      "tpu.region"() ({
        %run_scoped3A = tpu.sem_alloc : memref<!tpu.dma_semaphore, #tpu.memory_space<semaphore_mem>>
        tpu.enqueue_dma source(%arg10 : memref<16xf32, #tpu.memory_space<vmem>>) target(%arg6 : memref<16xf32, #tpu.memory_space<hbm>>) target_semaphore(%run_scoped3A : memref<!tpu.dma_semaphore, #tpu.memory_space<semaphore_mem>>)
        tpu.wait_dma2 semaphore(%run_scoped3A : memref<!tpu.dma_semaphore, #tpu.memory_space<semaphore_mem>>) src(%arg10 : memref<16xf32, #tpu.memory_space<vmem>>) dst(%arg6 : memref<16xf32, #tpu.memory_space<hbm>>)
        tpu.yield
      }) : () -> ()
    } else {
    }
    return
  }
}

</mosaic_0001>

<sc_bundles>
// kernel: _mf_dot.3.cloned.1.call-start
scs
__scs_entry_jumppad:
0x0: {  	(pc) =	sbr.rel $0x88, $3  }
0x1: {  	(tag) =	ssettag $0x0;
	lr =	simm.s32 $0x1  }
0x2: {  	[smem:$0x3F9D] =	sst lr;
	_ =	strace $0xD0000000  }
0x3: {  	_ = 	snop  }
0x4: {  	_ = 	snop  }
0x5: {  	_ = 	snop  }
0x6: {  	_ = 	snop  }
0x7: {  	_ = 	snop  }
__scs_overlays_trampoline_lowered:
0x8: {  	[smem:$0x3FAC] =	sst s0  }
0x9: {  	[smem:$0x3FAD] =	sst s1  }
0xa: {  	[smem:$0x3FAE] =	sst s2  }
0xb: {  	[smem:$0x3FAF] =	sst s3  }
0xc: {  	[smem:$0x3FB0] =	sst s4  }
0xd: {  	[smem:$0x3FB1] =	sst s5  }
0xe: {  	[smem:$0x3FB2] =	sst s6  }
0xf: {  	[smem:$0x3FB3] =	sst s7  }
0x10: {  	[smem:$0x3FB4] =	sst s8  }
0x11: {  	[smem:$0x3FB5] =	sst s9;
	s0 =	simm.s32 @!p0 $0x0  }
0x12: {  	s1 =	sld [smem:$0x3F9B];
	s0 =	simm.s32 @p0 $0x1  }
0x13: {  	[smem:$0x3FB6] =	sst s0;
	s0 =	simm.s32 @!p1 $0x0  }
0x14: {  	s2 =	sld [smem:$0x3F9A];
	s0 =	simm.s32 @p1 $0x1  }
0x15: {  	[smem:$0x3FB7] =	sst s0;
	s0 =	simm.s32 @!p2 $0x0  }
0x16: {  	s3 =	sld [smem:$0x3FDB];
	s0 =	simm.s32 @p2 $0x1  }
0x17: {  	s4 =	simm.s32 $0x1BF5;
	[smem:$0x3FB9] =	sst s0  }
0x18: {  	s0 =	sld [smem:$0x3F9C];
	_ =	swait.ge [sflag:s4], $0x0  }
0x19: {  	s7 =	sld [smem:$0x3F9D]  }
0x1a: {  	s8 =	sadd.s32 $0xFFFFE003, lr  }
0x1b: {  	s9 =	sadd.s32 $0xFFFFFEF7, lr;
	s5 =	simm.s32 $0xFFFFFFFF;
	p2 =	slt.u32 s8, $0xFFFFF086  }
0x1c: {  	p1 =	slt.u32 s9, $0xF7A;
	s5 =	simm.s32 @!p2 $0x0  }
0x1d: {  	s5 =	simm.s32 @p1 $0x1;
	p0 =	seq.s32 s7, s2  }
0x1e: {  	s7 =	smul.u32 @!p0 $0xF7A, s2;
	p2 =	seq.s32 @!p0 s5, $0x0  }
0x1f: {  	s9 =	smul.u32 $0xF7A, s1;
	s8 =	simm.s32 @!p0 $0x1BF5;
	p2 =	por !p2, p0  }
0x20: {  	[sflag:s8] =	ssyncset.s32 @!p0 $0xFFFFF086;
	s6 =	sadd.s32 @!p0 s3, s7;
	s7 =	simm.s32 @!p0 $0x108  }
0x21: {  	s3 =	sadd.s32 s3, s9;
	s6 =	sadd.s32 @!p0 $0x88, s6;
	s7 =	simm.s32 @p2 $0x1082  }
0x22: {  	[simem:s7], [sflag:s8] =	dma.local @!p0 [hbm:s6], $0xF7A  }
0x23: {  	s9 =	sor.u32 $0xD0000000, s2;
	s6 =	simm.s32 $0x108;
	_ =	swait.ge @!p0 [sflag:s8], $0x0  }
0x24: {  	s3 =	sadd.s32 $0x88, s3;
	s6 =	simm.s32 @!p1 $0x1082;
	[sflag:s4] =	ssyncset.s32 $0xFFFFF086  }
0x25: {  	[simem:s6], [sflag:s4] =	dma.local [hbm:s3], $0xF7A  }
0x26: {  	[smem:$0x3F9D] =	sst s1;
	(tag) =	ssettag s2;
	_ =	strace s9  }
0x27: {  	s1 =	sld [smem:$0x3FAD]  }
0x28: {  	s2 =	sld [smem:$0x3FAE]  }
0x29: {  	s4 =	sld [smem:$0x3FB0]  }
0x2a: {  	p0 =	seq.s32 s5, $0x0;
	s5 =	sld [smem:$0x3FB1]  }
0x2b: {  	s6 =	sld [smem:$0x3FB2]  }
0x2c: {  	s7 =	sld [smem:$0x3FB3]  }
0x2d: {  	s3 =	simm.s32 $0x108;
	s8 =	sld [smem:$0x3FB4]  }
0x2e: {  	s3 =	simm.s32 @!p0 $0x1082;
	s9 =	sld [smem:$0x3FB5]  }
0x2f: {  	lr =	sadd.s32 s0, s3;
	s0 =	sld [smem:$0x3FAC]  }
0x30: {  	s3 =	sld [smem:$0x3FAF]  }
0x31: {  	[smem:$0x3FB8] =	sst s10  }
0x32: {  	s10 =	sld [smem:$0x3FB6];
	_ =	sdelay $0x3  }
0x33: {  	p0 =	seq.s32 s10, $0x1;
	s10 =	sld [smem:$0x3FB8];
	_ =	sdelay $0x3  }
0x34: {  	[smem:$0x3FB8] =	sst s10  }
0x35: {  	s10 =	sld [smem:$0x3FB7];
	_ =	sdelay $0x3  }
0x36: {  	p1 =	seq.s32 s10, $0x1;
	s10 =	sld [smem:$0x3FB8];
	_ =	sdelay $0x3  }
0x37: {  	[smem:$0x3FB8] =	sst s10  }
0x38: {  	s10 =	sld [smem:$0x3FB9]  }
0x39: {  	_ = 	snop;
	(pc) =	sbr.ind lr, $3  }
0x3a: {  	_ = 	snop  }
0x3b: {  	_ = 	snop  }
0x3c: {  	p2 =	seq.s32 s10, $0x1;
	s10 =	sld [smem:$0x3FB8]  }
0x3d: {  	_ =	shalt  }
0x3e: {  	_ =	shalt  }
0x3f: {  	_ =	shalt  }
0x40: {  	_ =	shalt  }
0x41: {  	_ =	shalt  }
0x42: {  	_ =	shalt  }
0x43: {  	_ =	shalt  }
0x44: {  	_ =	shalt  }
0x45: {  	_ =	shalt  }
0x46: {  	_ =	shalt  }
0x47: {  	_ =	shalt  }
0x48: {  	_ =	shalt  }
0x49: {  	_ =	shalt  }
0x4a: {  	_ =	shalt  }
0x4b: {  	_ =	shalt  }
0x4c: {  	_ =	shalt  }
0x4d: {  	_ =	shalt  }
0x4e: {  	_ =	shalt  }
0x4f: {  	_ =	shalt  }
0x50: {  	_ =	shalt  }
0x51: {  	_ =	shalt  }
0x52: {  	_ =	shalt  }
0x53: {  	_ =	shalt  }
0x54: {  	_ =	shalt  }
0x55: {  	_ =	shalt  }
0x56: {  	_ =	shalt  }
0x57: {  	_ =	shalt  }
0x58: {  	_ =	shalt  }
0x59: {  	_ =	shalt  }
0x5a: {  	_ =	shalt  }
0x5b: {  	_ =	shalt  }
0x5c: {  	_ =	shalt  }
0x5d: {  	_ =	shalt  }
0x5e: {  	_ =	shalt  }
0x5f: {  	_ =	shalt  }
0x60: {  	_ =	shalt  }
0x61: {  	_ =	shalt  }
0x62: {  	_ =	shalt  }
0x63: {  	_ =	shalt  }
0x64: {  	_ =	shalt  }
0x65: {  	_ =	shalt  }
0x66: {  	_ =	shalt  }
0x67: {  	_ =	shalt  }
0x68: {  	_ =	shalt  }
0x69: {  	_ =	shalt  }
0x6a: {  	_ =	shalt  }
0x6b: {  	_ =	shalt  }
0x6c: {  	_ =	shalt  }
0x6d: {  	_ =	shalt  }
0x6e: {  	_ =	shalt  }
0x6f: {  	_ =	shalt  }
0x70: {  	_ =	shalt  }
0x71: {  	_ =	shalt  }
0x72: {  	_ =	shalt  }
0x73: {  	_ =	shalt  }
0x74: {  	_ =	shalt  }
0x75: {  	_ =	shalt  }
0x76: {  	_ =	shalt  }
0x77: {  	_ =	shalt  }
0x78: {  	_ =	shalt  }
0x79: {  	_ =	shalt  }
0x7a: {  	_ =	shalt  }
0x7b: {  	_ =	shalt  }
0x7c: {  	_ =	shalt  }
0x7d: {  	_ =	shalt  }
0x7e: {  	_ =	shalt  }
0x7f: {  	_ =	shalt  }
0x80: {  	_ =	shalt  }
0x81: {  	_ =	shalt  }
0x82: {  	_ =	shalt  }
0x83: {  	_ =	shalt  }
0x84: {  	_ =	shalt  }
0x85: {  	_ =	shalt  }
0x86: {  	_ =	shalt  }
0x87: {  	_ =	shalt  }
.Lfunc_end0:
.L_simem_size_0:
called_computation_lowered:
.L_overlay_start_0:
0x88: {  	s0 =	sld [smem:$0x3FD9]  }
0x89: {  	s1 =	sld [smem:$0x3FFE];
	_ =	sdelay $0x3  }
0x8a: {  	s0 =	sadd.s32 s1, s0  }
0x8b: {  	[smem:$0x3FC4] =	sst s0  }
0x8c: {  	_ = 	snop  }
0x8d: {  	s0 =	sld [smem:$0x3FC9]  }
0x8e: {  	s17 =	sld [smem:$0x3FC8]  }
0x8f: {  	s2 =	sld [smem:$0x3FC7]  }
0x90: {  	s3 =	sld [smem:$0x3FC6]  }
0x91: {  	s4 =	sld [smem:$0x3FD0];
	(tm) =	ssettm $0x1  }
0x92: {  	s5 =	sld [smem:$0x3FFB];
	_ =	sdelay $0x3  }
0x93: {  	_ =	strace s5  }
0x94: {  	s5 =	sld [smem:$0x3FFC];
	_ =	sdelay $0x3  }
0x95: {  	_ =	strace s5  }
0x96: {  	s5 =	sld [smem:$0x3FFD];
	_ =	sdelay $0x3  }
0x97: {  	_ =	strace s5  }
0x98: {  	_ =	strace $0x8FFFFFFF  }
0x99: {  	s18 =	sld [smem:$0x3FDB];
	_ =	sdelay $0x1  }
0x9a: {  	s6 =	simm.s32 $_scs_section_size  }
0x9b: {  	s7 =	simm.s32 $_size__tile_overlayer_lowered;
	s8 =	simm.s32 $_tile_overlayer_lowered  }
0x9c: {  	s21 =	simm.s32 $0x1BFF;
	s20 =	sshll.u32 s8, $0x1;
	s5 =	sadd.s32 s6, s18  }
0x9d: {  	s9 =	simm.s32 $0x0;
	s19 =	sshll.u32 s7, $0x1;
	s7 =	sadd.s32 s20, s5  }
0x9e: {  	[timem:s9], [sflag:s21] =	dma.local [hbm:s7], s19  }
0x9f: {  	_ =	swait.ge [sflag:s21], s19  }
0xa0: {  	s6 =	ssub.s32 $0x0, s19;
	[sflag:s21] =	ssyncset.done $0x0  }
0xa1: {  	[sflag:s21] =	ssyncadd.s32 s6;
	_ =	sdelay $0x1  }
0xa2: {  	s22 =	simm.s32 $0x1B8B  }
0xa3: {  	_ =	swait.ge [sflag:s22], $0x1  }
0xa4: {  	[sflag:s22] =	ssyncset.done $0x0  }
0xa5: {  	s23 =	simm.s32 $0x1B8E;
	[sflag:s22] =	ssyncadd.s32 $0xFFFFFFFF  }
0xa6: {  	s24 =	simm.s32 $execute0_lowered;
	[smem:$0x3FD2] =	sst s23  }
0xa7: {  	s6 =	sshll.u32 s24, $0x1;
	_ =	strace $0x80000046;
	[dreg:$0x1] =	wrdreg $0xFFFFFFFF  }
0xa8: {  	s25 =	simm.s32 $_size_execute0_lowered;
	s5 =	sadd.s32 s5, s6;
	[dreg:$0x0] =	wrdreg $0x0  }
0xa9: {  	s6 =	sshll.u32 s25, $0x1;
	[dreg:$0x2] =	wrdreg s5  }
0xaa: {  	[dreg:$0x3] =	wrdreg s6  }
0xab: {  	[dreg:$0x4] =	wrdreg $0xC0  }
0xac: {  	_ =	task [dreg:s9], $0x5FFFF  }
0xad: {  	[dreg:$0x1] =	wrdreg $0xFFFFFFFF  }
0xae: {  	[dreg:$0x0] =	wrdreg $0x60  }
0xaf: {  	[dreg:$0x2] =	wrdreg s0  }
0xb0: {  	[dreg:$0x3] =	wrdreg s17  }
0xb1: {  	[dreg:$0x4] =	wrdreg s2  }
0xb2: {  	[dreg:$0x5] =	wrdreg s3  }
0xb3: {  	[dreg:$0x6] =	wrdreg s4  }
0xb4: {  	[dreg:$0x7] =	wrdreg $0x9  }
0xb5: {  	_ =	task.clear_ibuf [dreg:s9], $0x8FFFF;
	_ =	strace $0x90000046  }
0xb6: {  	s26 =	simm.s32 $0x9;
	_ =	strace $0x80000048  }
0xb7: {  	_ =	swait.ge [sflag:s26], $0x1  }
0xb8: {  	[sflag:s26] =	ssyncadd.s32 $0xFFFFFFFF  }
0xb9: {  	_ =	strace $0x90000048  }
0xba: {  	_ =	sfence  }
0xbb: {  	s28 =	sld [smem:$0x0];
	_ =	sdelay $0x1  }
0xbc: {  	s29 =	srdreg.scid  }
0xbd: {  	s30 =	sshll.u32 s29, $0xD;
	s31 =	sshrl.u32 s29, $0x2  }
0xbe: {  	s1 =	sand.u32 $0x1, s29;
	s2 =	sand.u32 $0x4000, s30;
	s0 =	sadd.s32 s31, s28  }
0xbf: {  	s1 =	sor.u32 s2, s1;
	s0 =	sshll.u32 s0, $0x11  }
0xc0: {  	s0 =	sor.u32 s0, s1  }
0xc1: {  	s0 =	sadd.s32 $0x8F2B, s0  }
0xc2: {  	[sflag:s0] =	ssyncadd.remote.s32 $0x1  }
0xc3: {  	_ =	sfence.sel $0xFFFF  }
0xc4: {  	[dreg:$0x0] =	wrdreg $0xFFFFFFFF;
	(pc) =	sbr.abs _section_cstart, $3  }
0xc5: {  	[dreg:$0x1] =	wrdreg $0xFFFFFFFF  }
0xc6: {  	_ =	task.clear_ibuf [dreg:s9], $0x2FFFF;
	_ =	strace $0x9FFFFFFF  }
0xc7: {  	(tm) =	ssettm $0x7FFFFFFF  }
tec
execute0_lowered:
.L_overlay_start_1:
0x0: {  	(tag) =	ssettag $0x1  }
0x1: {  	s3 =	rddreg [dreg:$0x0];
	s7 =	stileid.u32  }
0x2: {  	s2 =	rddreg [dreg:$0x1];
	p0 =	sne.s32 s7, $0x0  }
.Ltmp0:
0x3: {  	s5 =	rddreg [dreg:$0x2];
	(pc) =	sbr.rel @p0 .LBB2_4-.Ltmp0, $4  }
0x4: {  	s4 =	rddreg [dreg:$0x3]  }
0x5: {  	s1 =	rddreg [dreg:$0x4];
	s6 =	simm.s32 $0x0  }
0x6: {  	[smem:$0x7FF] =	sst s6  }
0x7: {  	s0 =	rddreg [dreg:$0x5];
	_ =	strace $0x80000047  }
0x8: {  	[tilespmem:s6], [sflag:$0x1] =	stream.linear.gather [hbm4b:s3+s6], $0x1, $0x38;
	[tilespmem:$0x4100] =	vst v63  }
0x9: {  	s25 =	simm.s32 $0x8  }
0xa: {  	[tilespmem:s25], [sflag:$0x2] =	stream.linear.gather [hbm4b:s2+s6], $0x1, $0x38;
	[tilespmem:$0x4100] =	vst v63  }
0xb: {  	s2 =	simm.s32 $0x1  }
0xc: {  	_ =	swait.ge [sflag:s2], $0x1  }
0xd: {  	[sflag:s2] =	ssyncset.done $0x0  }
0xe: {  	s3 =	simm.s32 $0x2;
	[sflag:s2] =	ssyncadd.s32 $0xFFFFFFFF  }
0xf: {  	_ =	swait.ge [sflag:s3], $0x1  }
0x10: {  	[sflag:s3] =	ssyncset.done $0x0  }
0x11: {  	[sflag:s3] =	ssyncadd.s32 $0xFFFFFFFF  }
0x12: {  	v0 =	vld [tilespmem:$0x0];
	_ =	sdelay $0x4  }
0x13: {  	(v2sf) =	vpush v0, $0x0;
	_ =	sdelay $0x1  }
0x14: {  	(v2sf) =	vpush v0, $0x8;
	_ =	sdelay $0xb  }
0x15: {  	s31 =	simm.s32 $0x400  }
0x16: {  	s13 =	simm.s32 $0x7A1400;
	s12 =	simm.s32 $0x80;
	s26 =	spop (v2sf)  }
0x17: {  	s23 =	simm.s32 $0xC3800;
	s24 =	simm.s32 $0x2080;
	s7 =	sand.u32 $0x7F, s26  }
0x18: {  	s8 =	sshra.s32 s26, $0x1F;
	p1 =	slt.s32 s26, $0x1;
	s9 =	spop (v2sf)  }
0x19: {  	p2 =	sne.s32 s7, $0x0;
	s28 =	sshrl.u32 s8, $0x19;
	s8 =	simm.s32 $0x1  }
0x1a: {  	s29 =	sand.u32 $0x7F, s9;
	s10 =	sshra.s32 s9, $0x1F;
	p4 =	slt.s32 s9, $0x1  }
0x1b: {  	p1 =	por !p1, !p2;
	s7 =	sadd.s32 s28, s26;
	p5 =	sne.s32 s29, $0x0  }
0x1c: {  	s30 =	sshrl.u32 s10, $0x19;
	s10 =	simm.s32 $0x1;
	p1 =	por !p1, !p1  }
0x1d: {  	s7 =	sshrl.u32 s7, $0x7;
	s8 =	simm.s32 @!p1 $0x0;
	p1 =	por !p4, !p5  }
0x1e: {  	s7 =	ssub.s32 s7, s8;
	s8 =	sadd.s32 s30, s9;
	p1 =	por !p1, !p1  }
0x1f: {  	s7 =	sshll.u32 s7, $0x7;
	s8 =	sshrl.u32 s8, $0x7;
	s10 =	simm.s32 @!p1 $0x0  }
0x20: {  	s6 =	simm.s32 $0x1;
	s11 =	sand.u32 $0x1FFFFF80, s7;
	s8 =	ssub.s32 s8, s10  }
0x21: {  	s15 =	ssub.s32 s26, s7;
	p1 =	sne.s32 s26, s7;
	s5 =	sadd.s32 s5, s11  }
0x22: {  	s14 =	sshll.u32 s8, $0x7;
	s16 =	sshra.s32 s15, $0x1F;
	s6 =	simm.s32 @!p1 $0x0  }
0x23: {  	[tilespmem:s12], [sflag:$0x1] =	stream.strided.gather [hbm4b:s5+s31], $0x2000, s13, s31, $0x38;
	[tilespmem:$0x4100] =	vst v63  }
0x24: {  	s17 =	ssub.s32 s9, s14;
	s18 =	sshrl.u32 s16, $0x1C;
	s6 =	sor.u32 s6, s16  }
0x25: {  	p1 =	sne.s32 s9, s14;
	s9 =	simm.s32 $0x1;
	s5 =	sand.u32 $0x1FFFFF80, s14  }
0x26: {  	s12 =	sadd.s32 s18, s15;
	s19 =	sshra.s32 s17, $0x1F;
	p6 =	sne.s32 s6, $0x1  }
0x27: {  	s9 =	simm.s32 @!p1 $0x0;
	s4 =	sadd.s32 s4, s5;
	s13 =	sshrl.u32 s19, $0x1C  }
0x28: {  	[tilespmem:s24], [sflag:$0x2] =	stream.strided.gather [hbm4b:s4+s31], $0x2000, s23, s31, $0x38;
	[tilespmem:$0x4100] =	vst v63  }
0x29: {  	s5 =	simm.s32 $0x1;
	s21 =	sand.u32 $0xFFFFFFF0, s12;
	s20 =	sadd.s32 s13, s17  }
0x2a: {  	s9 =	sor.u32 s9, s19;
	p5 =	sne.s32 s15, s21;
	s22 =	sand.u32 $0xFFFFFFF0, s20  }
0x2b: {  	p3 =	sne.s32 s9, $0x1;
	p1 =	por !p5, !p6;
	p4 =	sne.s32 s17, s22  }
0x2c: {  	s25 =	sshrl.u32 s12, $0x4;
	p1 =	por !p1, !p1;
	p6 =	por !p4, !p3  }
0x2d: {  	s9 =	simm.s32 $0x1;
	s5 =	simm.s32 @!p1 $0x0;
	p1 =	por !p6, !p6  }
0x2e: {  	s26 =	sshrl.u32 s20, $0x4;
	s4 =	ssub.s32 s25, s5;
	s9 =	simm.s32 @!p1 $0x0  }
0x2f: {  	s4 =	sshll.u32 s4, $0x4;
	s5 =	ssub.s32 s26, s9  }
0x30: {  	_ =	swait.ge [sflag:s2], $0x2000;
	s4 =	sadd.s32 $0x80, s4;
	s5 =	sshll.u32 s5, $0x4  }
0x31: {  	[sflag:s2] =	ssyncset.done $0x0;
	v0 =	vmov s4;
	s5 =	sadd.s32 $0x2080, s5  }
0x32: {  	[sflag:s2] =	ssyncadd.s32 $0xFFFFE000;
	v1 =	vmov s5  }
0x33: {  	_ =	swait.ge [sflag:s3], $0x2000  }
0x34: {  	[sflag:s3] =	ssyncset.done $0x0  }
0x35: {  	s28 =	simm.s32 $0x0;
	[sflag:s3] =	ssyncadd.s32 $0xFFFFE000  }
0x36: {  	v4 =	vld.idx.msk [tilespmem:v0+s28+$0x0 ss:$0x1], $0xffff  }
0x37: {  	v5 =	vld.idx.msk [tilespmem:v1+s28+$0x0 ss:$0x1], $0xffff;
	_ =	sdelay $0x2  }
0x38: {  	s29 =	sand.u32 $0xF, s15;
	s30 =	sand.u32 $0xF, s17  }
0x39: {  	v2 =	vmov s29;
	v3 =	vmov s30;
	s31 =	simm.s32 $0x80  }
0x3a: {  	v7 =	vperm.xlane v4, v2;
	v8 =	vperm.xlane v5, v3;
	v5 =	vld.idx.msk [tilespmem:v0+s31+$0x0 ss:$0x1], $0xffff  }
0x3b: {  	v6 =	vld.idx.msk [tilespmem:v1+s31+$0x0 ss:$0x1], $0xffff  }
0x3c: {  	s2 =	simm.s32 $0x400;
	v4 =	vimm.f32 $0.0e+00;
	v7 =	vmul.f32 v8, v7  }
.LBB2_2:
0x3d: {  	p1 =	sne.s32 s2, $0x7E00  }
.Ltmp1:
0x3e: {  	s3 =	sshra.s32 s2, $0x2;
	v4 =	vadd.f32 v7, v4;
	(pc) =	sbr.rel @p1 .LBB2_2-.Ltmp1, $3  }
0x3f: {  	s2 =	sadd.s32 $0x200, s2;
	v7 =	vmov v5;
	v5 =	vld.idx.msk [tilespmem:v0+s3+$0x0 ss:$0x1], $0xffff  }
0x40: {  	v7 =	vperm.xlane v7, v2;
	v8 =	vperm.xlane v6, v3;
	v6 =	vld.idx.msk [tilespmem:v1+s3+$0x0 ss:$0x1], $0xffff;
	_ =	sdelay $0x1  }
0x41: {  	v7 =	vmul.f32 v8, v7  }
0x42: {  	_ =	sdelay $0x1  }
0x43: {  	v0 =	vperm.xlane v5, v2;
	v1 =	vperm.xlane v6, v3;
	_ =	sdelay $0x1  }
0x44: {  	v63 =	vadd.f32 v7, v4;
	v0 =	vmul.f32 v1, v0;
	_ =	sdelay $0x1  }
0x45: {  	v0 =	vadd.f32 v0, v63;
	_ =	sdelay $0x1  }
0x46: {  	s2 =	simm.s32 $0x0;
	s3 =	simm.s32 $0x4080;
	s31 =	simm.s32 $0x3;
	[tilespmem:$0x4080] =	vst v0  }
0x47: {  	[hbm4b:s1+s2] =	stream.linear.scatter [tilespmem:s3], [sflag:$0x3], $0x80, $0x38;
	[tilespmem:$0x4100] =	vst v63  }
0x48: {  	_ =	swait.ge [sflag:s31], $0x80  }
0x49: {  	[sflag:s31] =	ssyncset.done $0x0  }
0x4a: {  	[sflag:s31] =	ssyncadd.s32 $0xFFFFFF80  }
.LBB2_4:
0x4b: {  	_ =	sfence.sel $0x180000  }
0x4c: {  	[bflag:$0x0] =	sbarrier.arrive $0xFFFF  }
0x4d: {  	_ =	strace $0x90000047  }
0x4e: {  	s0 =	sadd.s32 @!p0 $0x100000, s0;
	[bflag:$0x2] =	sbarrier.arrive $0xFFFF  }
0x4f: {  	[sflag:s0] =	ssyncadd.tile.s32 @!p0 $0x1;
	_ =	shalt  }
.Lfunc_end2:
_tile_overlayer_lowered:
.L_overlay_start_2:
0x50: {  	(tag) =	ssettag $0x2  }
0x51: {  	s0 =	rddreg [dreg:$0x0];
	s2 =	stileid.u32  }
0x52: {  	s1 =	rddreg [dreg:$0x1];
	p0 =	sne.s32 s2, $0x0  }
0x53: {  	s3 =	rddreg [dreg:$0x2];
	[bflag:$0x3] =	sbarrier.arrive $0xFFFF;
	s2 =	simm.s32 @!p0 $0x1C03  }
0x54: {  	[timem:s3], [sflag:s2] =	dma.local @!p0 [hbm:s0], s1  }
0x55: {  	s0 =	simm.s32 @!p0 $0x3  }
0x56: {  	_ =	swait.ge @!p0 [sflag:s0], s1  }
0x57: {  	s1 =	ssub.s32 @!p0 $0x0, s1;
	[sflag:s0] =	ssyncset.done @!p0 $0x0  }
0x58: {  	[sflag:s0] =	ssyncadd.s32 @!p0 s1  }
0x59: {  	[bflag:$0x3] =	sbarrier.arrive $0xFFFF  }
0x5a: {  	_ =	shalt  }

</sc_bundles>
